<compile_context>
chip_gen: v7x
topology: tpu7x:2x2x1
jax: 0.10.2.dev20260603
libtpu: 0.0.44.dev20260713+nightly
codegen_flags: <defaults>
</compile_context>

<pallas_src>
import jax
import jax.numpy as jnp
from jax import lax
from jax.experimental import pallas as pl
from jax.experimental.pallas import tpu as pltpu
from jax.experimental.pallas import tpu_sc as plsc

NUM_MONTH = 12
NUM_LOC = 100000
D = 128
B = 16384

_SC_ROWS = 12288
_TC_ROWS = B - _SC_ROWS

_NC = 2
_NS = 16
_NW = _NC * _NS
_BPW = _SC_ROWS // _NW
_NCHUNK = 4
_CHUNK = _BPW // _NCHUNK


def _sc_gather_body(y_hbm, table_hbm, out_hbm, idx_v, rows_v, gsems, wsem):
    wid = lax.axis_index("s") * _NC + lax.axis_index("c")
    base = wid * _BPW
    pltpu.sync_copy(y_hbm.at[1, pl.ds(base, _BPW)], idx_v)
    copies = []
    for j in range(_NCHUNK):
        sl = pl.ds(j * _CHUNK, _CHUNK)
        copies.append(
            pltpu.async_copy(table_hbm.at[idx_v.at[sl]], rows_v.at[sl],
                             gsems.at[j])
        )
    writes = []
    for j in range(_NCHUNK):
        sl = pl.ds(j * _CHUNK, _CHUNK)
        copies[j].wait()
        writes.append(
            pltpu.async_copy(rows_v.at[sl],
                             out_hbm.at[pl.ds(base + j * _CHUNK, _CHUNK)],
                             wsem)
        )
    for w in writes:
        w.wait()


def _sc_gather(loc_table, y):
    mesh = plsc.VectorSubcoreMesh(core_axis_name="c", subcore_axis_name="s")
    return pl.kernel(
        _sc_gather_body,
        out_type=jax.ShapeDtypeStruct((_SC_ROWS, D), jnp.float32),
        mesh=mesh,
        scratch_types=[
            pltpu.VMEM((_BPW,), jnp.int32),
            pltpu.VMEM((_BPW, D), jnp.float32),
            pltpu.SemaphoreType.DMA((_NCHUNK,)),
            pltpu.SemaphoreType.DMA,
        ],
        name="sc_gather",
    )(y, loc_table)


_TCB = 2048
_TC_TILES = _TC_ROWS // _TCB


def _tc_gather_body(idx_ref, table_ref, out_ref, sem):
    def issue(i, carry):
        r = idx_ref[1, 0, i]
        pltpu.make_async_copy(
            table_ref.at[pl.ds(r, 1), :], out_ref.at[pl.ds(i, 1), :], sem
        ).start()
        return carry

    lax.fori_loop(0, _TCB, issue, 0)
    pltpu.make_async_copy(table_ref.at[pl.ds(0, _TCB), :], out_ref, sem).wait()


def _tc_gather(y3, loc_table):
    tile0 = _SC_ROWS // _TCB
    return pl.pallas_call(
        _tc_gather_body,
        grid=(_TC_TILES,),
        in_specs=[
            pl.BlockSpec((2, 1, _TCB), lambda i: (0, 0, i + tile0),
                         memory_space=pltpu.SMEM),
            pl.BlockSpec(memory_space=pl.ANY),
        ],
        out_specs=pl.BlockSpec((_TCB, D), lambda i: (i, 0)),
        out_shape=jax.ShapeDtypeStruct((_TC_ROWS, D), jnp.float32),
        scratch_shapes=[pltpu.SemaphoreType.DMA],
        name="tc_gather",
    )(y3, loc_table)


_BB = 4096
_SC_TILES = _SC_ROWS // _BB
_TC_TILES_MLP = _TC_ROWS // _BB


def _mlp_body(month_ref, loc_ref, mt_ref, w1b_ref, b1_ref, w2_ref,
              b2_ref, out_ref):
    mt_proj = jnp.dot(mt_ref[...], w1b_ref[0], preferred_element_type=jnp.float32)
    labels = month_ref[0, 0, :]
    onehot = (labels[:, None]
              == lax.broadcasted_iota(jnp.int32, (_BB, NUM_MONTH), 1)
              ).astype(jnp.float32)
    h = (jnp.dot(onehot, mt_proj, preferred_element_type=jnp.float32)
         + jnp.dot(loc_ref[...], w1b_ref[1], preferred_element_type=jnp.float32)
         + b1_ref[...])
    h = h * jax.nn.sigmoid(h)
    out_ref[...] = (jnp.dot(h, w2_ref[...], preferred_element_type=jnp.float32)
                    + b2_ref[...])


def _mlp_body_skip_first(*refs):
    _mlp_body(*refs[1:])


def _tc_mlp_part(y3, loc_part, month_table, w1_split, b1r, b2r, W2, tile0,
                 n_tiles, out_prev):
    in_specs = [
        pl.BlockSpec((1, 1, _BB), lambda i: (0, 0, i + tile0)),
        pl.BlockSpec((_BB, D), lambda i: (i, 0)),
        pl.BlockSpec(month_table.shape, lambda i: (0, 0)),
        pl.BlockSpec(w1_split.shape, lambda i: (0, 0, 0)),
        pl.BlockSpec((1, D), lambda i: (0, 0)),
        pl.BlockSpec((D, D), lambda i: (0, 0)),
        pl.BlockSpec((1, D), lambda i: (0, 0)),
    ]
    args = (y3, loc_part, month_table, w1_split, b1r, W2, b2r)
    out_spec = pl.BlockSpec((_BB, D), lambda i: (i + tile0, 0))
    if out_prev is None:
        return pl.pallas_call(
            _mlp_body,
            grid=(n_tiles,),
            in_specs=in_specs,
            out_specs=out_spec,
            out_shape=jax.ShapeDtypeStruct((B, D), jnp.float32),
            name="tc_mlp_a",
        )(*args)
    return pl.pallas_call(
        _mlp_body_skip_first,
        grid=(n_tiles,),
        in_specs=[pl.BlockSpec(memory_space=pl.ANY)] + in_specs,
        out_specs=out_spec,
        out_shape=jax.ShapeDtypeStruct((B, D), jnp.float32),
        input_output_aliases={0: 0},
        name="tc_mlp_b",
    )(out_prev, *args)


@jax.jit
def _impl(y, month_table, loc_table, W1, b1, W2, b2):
    y = y.astype(jnp.int32)
    y3 = y.reshape(2, 1, B)
    w1_split = W1.reshape(2, D, D)
    b1r = b1.reshape(1, D)
    b2r = b2.reshape(1, D)
    loc_sc = _sc_gather(loc_table, y)
    loc_tc = _tc_gather(y3, loc_table)
    out = _tc_mlp_part(y3, loc_tc, month_table, w1_split, b1r, b2r, W2,
                       _SC_TILES, _TC_TILES_MLP, None)
    return _tc_mlp_part(y3, loc_sc, month_table, w1_split, b1r, b2r, W2,
                        0, _SC_TILES, out)


def kernel(y, month_table, loc_table, W1, b1, W2, b2):
    return _impl(y, month_table, loc_table, W1, b1, W2, b2)

# --- scband reference (transcript-rebuilt; emitter-appended) ---
"""Pipeline reference for scband-condition-embedding-71244917506662 (READ-ONLY COPY).

The authoritative reference and input builder live on the scoring server;
editing this copy changes nothing except your own understanding.
"""

import jax, jax.numpy as jnp
import numpy as np

NUM_MONTH = 12
NUM_LOC = 100000
D = 128
B = 16384

def setup_inputs(seed: int = 0) -> dict:
    key = jax.random.key(seed)
    k1, k2, k3, k4, k5, k6, k7 = jax.random.split(key, 7)
    y = jax.random.randint(k1, (2, B), 0, NUM_MONTH, dtype=jnp.int64) if jax.config.jax_enable_x64 else jax.random.randint(k1, (2, B), 0, NUM_MONTH).astype(jnp.int32)
    month_table = jax.random.normal(k2, (NUM_MONTH, D), dtype=jnp.float32)
    loc_table = jax.random.normal(k3, (NUM_LOC, D), dtype=jnp.float32)
    # torch Linear default init: U(-1/sqrt(fan_in), 1/sqrt(fan_in))
    lim1 = 1.0 / np.sqrt(2 * D)
    W1 = jax.random.uniform(k4, (2 * D, D), dtype=jnp.float32, minval=-lim1, maxval=lim1)
    b1 = jax.random.uniform(k5, (D,), dtype=jnp.float32, minval=-lim1, maxval=lim1)
    lim2 = 1.0 / np.sqrt(D)
    W2 = jax.random.uniform(k6, (D, D), dtype=jnp.float32, minval=-lim2, maxval=lim2)
    b2 = jax.random.uniform(k7, (D,), dtype=jnp.float32, minval=-lim2, maxval=lim2)
    return {"y": y, "month_table": month_table, "loc_table": loc_table, "W1": W1, "b1": b1, "W2": W2, "b2": b2}

def silu(x):
    return x * jax.nn.sigmoid(x)

def reference(y, month_table, loc_table, W1, b1, W2, b2):
    month_labels = y[0].astype(jnp.int32)
    location_labels = y[1].astype(jnp.int32)
    month_embed = jnp.take(month_table, month_labels, axis=0)
    location_embed = jnp.take(loc_table, location_labels, axis=0)
    y_embed = jnp.concatenate([month_embed, location_embed], axis=-1)
    h = y_embed @ W1 + b1
    h = silu(h)
    out = h @ W2 + b2
    return out

if __name__ == "__main__":
    import jax
    _d = setup_inputs()
    print(jax.jit(kernel)(*tuple(_d.values())))

</pallas_src>

<mosaic_0001>
#map = affine_map<(d0, d1) -> (0, 0)>
module attributes {stable_mosaic.version = 14 : i64} {
  func.func @sc_gather(%arg0: i32, %arg1: i32, %arg2: memref<2x16384xi32, #tpu.memory_space<hbm>>, %arg3: memref<100000x128xf32, #tpu.memory_space<hbm>>, %arg4: memref<12288x128xf32, #tpu.memory_space<hbm>>, %arg5: memref<384xi32, #tpu.memory_space<vmem>>, %arg6: memref<384x128xf32, #tpu.memory_space<vmem>>, %arg7: memref<4x!tpu.dma_semaphore, #tpu.memory_space<semaphore_mem>>, %arg8: memref<!tpu.dma_semaphore, #tpu.memory_space<semaphore_mem>>) attributes {dimension_semantics = [#tpu.dimension_semantics<core_parallel>, #tpu.dimension_semantics<subcore_parallel>], iteration_bounds = array<i64: 2, 16>, scalar_prefetch = 0 : i64, scratch_operands = 4 : i64, tpu.core_type = #tpu.core_type<sc_vector_subcore>, window_params = [{transform_indices = #map}, {transform_indices = #map}, {transform_indices = #map}]} {
    %mul3A = arith.constant 2 : i32
    %mul3A_0 = arith.muli %arg1, %mul3A : i32
    %add3A = arith.addi %mul3A_0, %arg0 : i32
    %mul3A_1 = arith.constant 384 : i32
    %mul3A_2 = arith.muli %add3A, %mul3A_1 : i32
    %run_scoped3A = arith.constant 1 : i32
    "tpu.region"() ({
      %run_scoped3A_177 = tpu.sem_alloc : memref<!tpu.dma_semaphore, #tpu.memory_space<semaphore_mem>>
      %dma_start3A_178 = tpu.memref_slice %arg2[%run_scoped3A, %mul3A_2] : memref<2x16384xi32, #tpu.memory_space<hbm>> -> memref<1x384xi32, #tpu.memory_space<hbm>>
      %dma_start3A_179 = tpu.memref_squeeze %dma_start3A_178 : memref<1x384xi32, #tpu.memory_space<hbm>> -> memref<384xi32, #tpu.memory_space<hbm>>
      %dma_start3A_180 = tpu.memref_slice %arg2[%run_scoped3A, %mul3A_2] : memref<2x16384xi32, #tpu.memory_space<hbm>> -> memref<1x384xi32, #tpu.memory_space<hbm>>
      %dma_start3A_181 = tpu.memref_squeeze %dma_start3A_180 : memref<1x384xi32, #tpu.memory_space<hbm>> -> memref<384xi32, #tpu.memory_space<hbm>>
      tpu.enqueue_dma source(%dma_start3A_181 : memref<384xi32, #tpu.memory_space<hbm>>) target(%arg5 : memref<384xi32, #tpu.memory_space<vmem>>) target_semaphore(%run_scoped3A_177 : memref<!tpu.dma_semaphore, #tpu.memory_space<semaphore_mem>>)
      %dma_wait3A_182 = tpu.memref_slice %arg2[%run_scoped3A, %mul3A_2] : memref<2x16384xi32, #tpu.memory_space<hbm>> -> memref<1x384xi32, #tpu.memory_space<hbm>>
      %dma_wait3A_183 = tpu.memref_squeeze %dma_wait3A_182 : memref<1x384xi32, #tpu.memory_space<hbm>> -> memref<384xi32, #tpu.memory_space<hbm>>
      %dma_wait3A_184 = tpu.memref_slice %arg2[%run_scoped3A, %mul3A_2] : memref<2x16384xi32, #tpu.memory_space<hbm>> -> memref<1x384xi32, #tpu.memory_space<hbm>>
      %dma_wait3A_185 = tpu.memref_squeeze %dma_wait3A_184 : memref<1x384xi32, #tpu.memory_space<hbm>> -> memref<384xi32, #tpu.memory_space<hbm>>
      tpu.wait_dma2 semaphore(%run_scoped3A_177 : memref<!tpu.dma_semaphore, #tpu.memory_space<semaphore_mem>>) src(%dma_wait3A_185 : memref<384xi32, #tpu.memory_space<hbm>>) dst(%arg5 : memref<384xi32, #tpu.memory_space<vmem>>)
      tpu.yield
    }) : () -> ()
    %dma_start3A = arith.constant 0 : i32
    %dma_start3A_3 = arith.constant 0 : i32
    %dma_start3A_4 = arith.constant 0 : i32
    %dma_start3A_5 = tpu.memref_slice %arg6[%dma_start3A_3, %dma_start3A_4] : memref<384x128xf32, #tpu.memory_space<vmem>> -> memref<96x128xf32, #tpu.memory_space<vmem>>
    %dma_start3A_6 = arith.constant 0 : i32
    %dma_start3A_7 = tpu.memref_slice %arg5[%dma_start3A_6] : memref<384xi32, #tpu.memory_space<vmem>> -> memref<96xi32, #tpu.memory_space<vmem>>
    %dma_start3A_8 = arith.constant 0 : i32
    %dma_start3A_9 = arith.constant 0 : i32
    %dma_start3A_10 = tpu.memref_slice %arg3[%dma_start3A_8, %dma_start3A_9] : memref<100000x128xf32, #tpu.memory_space<hbm>> -> memref<100000x128xf32, #tpu.memory_space<hbm>>
    %dma_start3A_11 = tpu.memref_slice %arg7[%dma_start3A] : memref<4x!tpu.dma_semaphore, #tpu.memory_space<semaphore_mem>> -> memref<1x!tpu.dma_semaphore, #tpu.memory_space<semaphore_mem>>
    %dma_start3A_12 = tpu.memref_squeeze %dma_start3A_11 : memref<1x!tpu.dma_semaphore, #tpu.memory_space<semaphore_mem>> -> memref<!tpu.dma_semaphore, #tpu.memory_space<semaphore_mem>>
    tpu.enqueue_indirect_dma source(%dma_start3A_10 : memref<100000x128xf32, #tpu.memory_space<hbm>>) target(%dma_start3A_5 : memref<96x128xf32, #tpu.memory_space<vmem>>) offsets(%dma_start3A_7 : memref<96xi32, #tpu.memory_space<vmem>>) semaphore(%dma_start3A_12 : memref<!tpu.dma_semaphore, #tpu.memory_space<semaphore_mem>>)
    %dma_start3A_13 = arith.constant 1 : i32
    %dma_start3A_14 = arith.constant 96 : i32
    %dma_start3A_15 = arith.constant 0 : i32
    %dma_start3A_16 = tpu.memref_slice %arg6[%dma_start3A_14, %dma_start3A_15] : memref<384x128xf32, #tpu.memory_space<vmem>> -> memref<96x128xf32, #tpu.memory_space<vmem>>
    %dma_start3A_17 = arith.constant 96 : i32
    %dma_start3A_18 = tpu.memref_slice %arg5[%dma_start3A_17] : memref<384xi32, #tpu.memory_space<vmem>> -> memref<96xi32, #tpu.memory_space<vmem>>
    %dma_start3A_19 = arith.constant 0 : i32
    %dma_start3A_20 = arith.constant 0 : i32
    %dma_start3A_21 = tpu.memref_slice %arg3[%dma_start3A_19, %dma_start3A_20] : memref<100000x128xf32, #tpu.memory_space<hbm>> -> memref<100000x128xf32, #tpu.memory_space<hbm>>
    %dma_start3A_22 = tpu.memref_slice %arg7[%dma_start3A_13] : memref<4x!tpu.dma_semaphore, #tpu.memory_space<semaphore_mem>> -> memref<1x!tpu.dma_semaphore, #tpu.memory_space<semaphore_mem>>
    %dma_start3A_23 = tpu.memref_squeeze %dma_start3A_22 : memref<1x!tpu.dma_semaphore, #tpu.memory_space<semaphore_mem>> -> memref<!tpu.dma_semaphore, #tpu.memory_space<semaphore_mem>>
    tpu.enqueue_indirect_dma source(%dma_start3A_21 : memref<100000x128xf32, #tpu.memory_space<hbm>>) target(%dma_start3A_16 : memref<96x128xf32, #tpu.memory_space<vmem>>) offsets(%dma_start3A_18 : memref<96xi32, #tpu.memory_space<vmem>>) semaphore(%dma_start3A_23 : memref<!tpu.dma_semaphore, #tpu.memory_space<semaphore_mem>>)
    %dma_start3A_24 = arith.constant 2 : i32
    %dma_start3A_25 = arith.constant 192 : i32
    %dma_start3A_26 = arith.constant 0 : i32
    %dma_start3A_27 = tpu.memref_slice %arg6[%dma_start3A_25, %dma_start3A_26] : memref<384x128xf32, #tpu.memory_space<vmem>> -> memref<96x128xf32, #tpu.memory_space<vmem>>
    %dma_start3A_28 = arith.constant 192 : i32
    %dma_start3A_29 = tpu.memref_slice %arg5[%dma_start3A_28] : memref<384xi32, #tpu.memory_space<vmem>> -> memref<96xi32, #tpu.memory_space<vmem>>
    %dma_start3A_30 = arith.constant 0 : i32
    %dma_start3A_31 = arith.constant 0 : i32
    %dma_start3A_32 = tpu.memref_slice %arg3[%dma_start3A_30, %dma_start3A_31] : memref<100000x128xf32, #tpu.memory_space<hbm>> -> memref<100000x128xf32, #tpu.memory_space<hbm>>
    %dma_start3A_33 = tpu.memref_slice %arg7[%dma_start3A_24] : memref<4x!tpu.dma_semaphore, #tpu.memory_space<semaphore_mem>> -> memref<1x!tpu.dma_semaphore, #tpu.memory_space<semaphore_mem>>
    %dma_start3A_34 = tpu.memref_squeeze %dma_start3A_33 : memref<1x!tpu.dma_semaphore, #tpu.memory_space<semaphore_mem>> -> memref<!tpu.dma_semaphore, #tpu.memory_space<semaphore_mem>>
    tpu.enqueue_indirect_dma source(%dma_start3A_32 : memref<100000x128xf32, #tpu.memory_space<hbm>>) target(%dma_start3A_27 : memref<96x128xf32, #tpu.memory_space<vmem>>) offsets(%dma_start3A_29 : memref<96xi32, #tpu.memory_space<vmem>>) semaphore(%dma_start3A_34 : memref<!tpu.dma_semaphore, #tpu.memory_space<semaphore_mem>>)
    %dma_start3A_35 = arith.constant 3 : i32
    %dma_start3A_36 = arith.constant 288 : i32
    %dma_start3A_37 = arith.constant 0 : i32
    %dma_start3A_38 = tpu.memref_slice %arg6[%dma_start3A_36, %dma_start3A_37] : memref<384x128xf32, #tpu.memory_space<vmem>> -> memref<96x128xf32, #tpu.memory_space<vmem>>
    %dma_start3A_39 = arith.constant 288 : i32
    %dma_start3A_40 = tpu.memref_slice %arg5[%dma_start3A_39] : memref<384xi32, #tpu.memory_space<vmem>> -> memref<96xi32, #tpu.memory_space<vmem>>
    %dma_start3A_41 = arith.constant 0 : i32
    %dma_start3A_42 = arith.constant 0 : i32
    %dma_start3A_43 = tpu.memref_slice %arg3[%dma_start3A_41, %dma_start3A_42] : memref<100000x128xf32, #tpu.memory_space<hbm>> -> memref<100000x128xf32, #tpu.memory_space<hbm>>
    %dma_start3A_44 = tpu.memref_slice %arg7[%dma_start3A_35] : memref<4x!tpu.dma_semaphore, #tpu.memory_space<semaphore_mem>> -> memref<1x!tpu.dma_semaphore, #tpu.memory_space<semaphore_mem>>
    %dma_start3A_45 = tpu.memref_squeeze %dma_start3A_44 : memref<1x!tpu.dma_semaphore, #tpu.memory_space<semaphore_mem>> -> memref<!tpu.dma_semaphore, #tpu.memory_space<semaphore_mem>>
    tpu.enqueue_indirect_dma source(%dma_start3A_43 : memref<100000x128xf32, #tpu.memory_space<hbm>>) target(%dma_start3A_38 : memref<96x128xf32, #tpu.memory_space<vmem>>) offsets(%dma_start3A_40 : memref<96xi32, #tpu.memory_space<vmem>>) semaphore(%dma_start3A_45 : memref<!tpu.dma_semaphore, #tpu.memory_space<semaphore_mem>>)
    %dma_wait3A = arith.constant 0 : i32
    %dma_wait3A_46 = arith.constant 0 : i32
    %dma_wait3A_47 = arith.constant 0 : i32
    %dma_wait3A_48 = tpu.memref_slice %arg6[%dma_wait3A_46, %dma_wait3A_47] : memref<384x128xf32, #tpu.memory_space<vmem>> -> memref<96x128xf32, #tpu.memory_space<vmem>>
    %dma_wait3A_49 = arith.constant 0 : i32
    %dma_wait3A_50 = tpu.memref_slice %arg5[%dma_wait3A_49] : memref<384xi32, #tpu.memory_space<vmem>> -> memref<96xi32, #tpu.memory_space<vmem>>
    %dma_wait3A_51 = arith.constant 0 : i32
    %dma_wait3A_52 = arith.constant 0 : i32
    %dma_wait3A_53 = tpu.memref_slice %arg3[%dma_wait3A_51, %dma_wait3A_52] : memref<100000x128xf32, #tpu.memory_space<hbm>> -> memref<100000x128xf32, #tpu.memory_space<hbm>>
    %dma_wait3A_54 = tpu.memref_slice %arg7[%dma_wait3A] : memref<4x!tpu.dma_semaphore, #tpu.memory_space<semaphore_mem>> -> memref<1x!tpu.dma_semaphore, #tpu.memory_space<semaphore_mem>>
    %dma_wait3A_55 = tpu.memref_squeeze %dma_wait3A_54 : memref<1x!tpu.dma_semaphore, #tpu.memory_space<semaphore_mem>> -> memref<!tpu.dma_semaphore, #tpu.memory_space<semaphore_mem>>
    tpu.wait_indirect_dma semaphore(%dma_wait3A_55 : memref<!tpu.dma_semaphore, #tpu.memory_space<semaphore_mem>>) src(%dma_wait3A_53 : memref<100000x128xf32, #tpu.memory_space<hbm>>) dst(%dma_wait3A_48 : memref<96x128xf32, #tpu.memory_space<vmem>>)
    %add3A_56 = arith.constant 0 : i32
    %add3A_57 = arith.addi %mul3A_2, %add3A_56 : i32
    %dma_start3A_58 = arith.constant 0 : i32
    %dma_start3A_59 = arith.constant 0 : i32
    %dma_start3A_60 = tpu.memref_slice %arg6[%dma_start3A_58, %dma_start3A_59] : memref<384x128xf32, #tpu.memory_space<vmem>> -> memref<96x128xf32, #tpu.memory_space<vmem>>
    %dma_start3A_61 = arith.constant 0 : i32
    %dma_start3A_62 = tpu.memref_slice %arg4[%add3A_57, %dma_start3A_61] : memref<12288x128xf32, #tpu.memory_space<hbm>> -> memref<96x128xf32, #tpu.memory_space<hbm>>
    %dma_start3A_63 = arith.constant 0 : i32
    %dma_start3A_64 = tpu.memref_slice %arg4[%add3A_57, %dma_start3A_63] : memref<12288x128xf32, #tpu.memory_space<hbm>> -> memref<96x128xf32, #tpu.memory_space<hbm>>
    %dma_start3A_65 = arith.constant 0 : i32
    %dma_start3A_66 = arith.constant 0 : i32
    %dma_start3A_67 = tpu.memref_slice %arg6[%dma_start3A_65, %dma_start3A_66] : memref<384x128xf32, #tpu.memory_space<vmem>> -> memref<96x128xf32, #tpu.memory_space<vmem>>
    tpu.enqueue_dma source(%dma_start3A_67 : memref<96x128xf32, #tpu.memory_space<vmem>>) target(%dma_start3A_64 : memref<96x128xf32, #tpu.memory_space<hbm>>) target_semaphore(%arg8 : memref<!tpu.dma_semaphore, #tpu.memory_space<semaphore_mem>>)
    %dma_wait3A_68 = arith.constant 1 : i32
    %dma_wait3A_69 = arith.constant 96 : i32
    %dma_wait3A_70 = arith.constant 0 : i32
    %dma_wait3A_71 = tpu.memref_slice %arg6[%dma_wait3A_69, %dma_wait3A_70] : memref<384x128xf32, #tpu.memory_space<vmem>> -> memref<96x128xf32, #tpu.memory_space<vmem>>
    %dma_wait3A_72 = arith.constant 96 : i32
    %dma_wait3A_73 = tpu.memref_slice %arg5[%dma_wait3A_72] : memref<384xi32, #tpu.memory_space<vmem>> -> memref<96xi32, #tpu.memory_space<vmem>>
    %dma_wait3A_74 = arith.constant 0 : i32
    %dma_wait3A_75 = arith.constant 0 : i32
    %dma_wait3A_76 = tpu.memref_slice %arg3[%dma_wait3A_74, %dma_wait3A_75] : memref<100000x128xf32, #tpu.memory_space<hbm>> -> memref<100000x128xf32, #tpu.memory_space<hbm>>
    %dma_wait3A_77 = tpu.memref_slice %arg7[%dma_wait3A_68] : memref<4x!tpu.dma_semaphore, #tpu.memory_space<semaphore_mem>> -> memref<1x!tpu.dma_semaphore, #tpu.memory_space<semaphore_mem>>
    %dma_wait3A_78 = tpu.memref_squeeze %dma_wait3A_77 : memref<1x!tpu.dma_semaphore, #tpu.memory_space<semaphore_mem>> -> memref<!tpu.dma_semaphore, #tpu.memory_space<semaphore_mem>>
    tpu.wait_indirect_dma semaphore(%dma_wait3A_78 : memref<!tpu.dma_semaphore, #tpu.memory_space<semaphore_mem>>) src(%dma_wait3A_76 : memref<100000x128xf32, #tpu.memory_space<hbm>>) dst(%dma_wait3A_71 : memref<96x128xf32, #tpu.memory_space<vmem>>)
    %add3A_79 = arith.constant 96 : i32
    %add3A_80 = arith.addi %mul3A_2, %add3A_79 : i32
    %dma_start3A_81 = arith.constant 96 : i32
    %dma_start3A_82 = arith.constant 0 : i32
    %dma_start3A_83 = tpu.memref_slice %arg6[%dma_start3A_81, %dma_start3A_82] : memref<384x128xf32, #tpu.memory_space<vmem>> -> memref<96x128xf32, #tpu.memory_space<vmem>>
    %dma_start3A_84 = arith.constant 0 : i32
    %dma_start3A_85 = tpu.memref_slice %arg4[%add3A_80, %dma_start3A_84] : memref<12288x128xf32, #tpu.memory_space<hbm>> -> memref<96x128xf32, #tpu.memory_space<hbm>>
    %dma_start3A_86 = arith.constant 0 : i32
    %dma_start3A_87 = tpu.memref_slice %arg4[%add3A_80, %dma_start3A_86] : memref<12288x128xf32, #tpu.memory_space<hbm>> -> memref<96x128xf32, #tpu.memory_space<hbm>>
    %dma_start3A_88 = arith.constant 96 : i32
    %dma_start3A_89 = arith.constant 0 : i32
    %dma_start3A_90 = tpu.memref_slice %arg6[%dma_start3A_88, %dma_start3A_89] : memref<384x128xf32, #tpu.memory_space<vmem>> -> memref<96x128xf32, #tpu.memory_space<vmem>>
    tpu.enqueue_dma source(%dma_start3A_90 : memref<96x128xf32, #tpu.memory_space<vmem>>) target(%dma_start3A_87 : memref<96x128xf32, #tpu.memory_space<hbm>>) target_semaphore(%arg8 : memref<!tpu.dma_semaphore, #tpu.memory_space<semaphore_mem>>)
    %dma_wait3A_91 = arith.constant 2 : i32
    %dma_wait3A_92 = arith.constant 192 : i32
    %dma_wait3A_93 = arith.constant 0 : i32
    %dma_wait3A_94 = tpu.memref_slice %arg6[%dma_wait3A_92, %dma_wait3A_93] : memref<384x128xf32, #tpu.memory_space<vmem>> -> memref<96x128xf32, #tpu.memory_space<vmem>>
    %dma_wait3A_95 = arith.constant 192 : i32
    %dma_wait3A_96 = tpu.memref_slice %arg5[%dma_wait3A_95] : memref<384xi32, #tpu.memory_space<vmem>> -> memref<96xi32, #tpu.memory_space<vmem>>
    %dma_wait3A_97 = arith.constant 0 : i32
    %dma_wait3A_98 = arith.constant 0 : i32
    %dma_wait3A_99 = tpu.memref_slice %arg3[%dma_wait3A_97, %dma_wait3A_98] : memref<100000x128xf32, #tpu.memory_space<hbm>> -> memref<100000x128xf32, #tpu.memory_space<hbm>>
    %dma_wait3A_100 = tpu.memref_slice %arg7[%dma_wait3A_91] : memref<4x!tpu.dma_semaphore, #tpu.memory_space<semaphore_mem>> -> memref<1x!tpu.dma_semaphore, #tpu.memory_space<semaphore_mem>>
    %dma_wait3A_101 = tpu.memref_squeeze %dma_wait3A_100 : memref<1x!tpu.dma_semaphore, #tpu.memory_space<semaphore_mem>> -> memref<!tpu.dma_semaphore, #tpu.memory_space<semaphore_mem>>
    tpu.wait_indirect_dma semaphore(%dma_wait3A_101 : memref<!tpu.dma_semaphore, #tpu.memory_space<semaphore_mem>>) src(%dma_wait3A_99 : memref<100000x128xf32, #tpu.memory_space<hbm>>) dst(%dma_wait3A_94 : memref<96x128xf32, #tpu.memory_space<vmem>>)
    %add3A_102 = arith.constant 192 : i32
    %add3A_103 = arith.addi %mul3A_2, %add3A_102 : i32
    %dma_start3A_104 = arith.constant 192 : i32
    %dma_start3A_105 = arith.constant 0 : i32
    %dma_start3A_106 = tpu.memref_slice %arg6[%dma_start3A_104, %dma_start3A_105] : memref<384x128xf32, #tpu.memory_space<vmem>> -> memref<96x128xf32, #tpu.memory_space<vmem>>
    %dma_start3A_107 = arith.constant 0 : i32
    %dma_start3A_108 = tpu.memref_slice %arg4[%add3A_103, %dma_start3A_107] : memref<12288x128xf32, #tpu.memory_space<hbm>> -> memref<96x128xf32, #tpu.memory_space<hbm>>
    %dma_start3A_109 = arith.constant 0 : i32
    %dma_start3A_110 = tpu.memref_slice %arg4[%add3A_103, %dma_start3A_109] : memref<12288x128xf32, #tpu.memory_space<hbm>> -> memref<96x128xf32, #tpu.memory_space<hbm>>
    %dma_start3A_111 = arith.constant 192 : i32
    %dma_start3A_112 = arith.constant 0 : i32
    %dma_start3A_113 = tpu.memref_slice %arg6[%dma_start3A_111, %dma_start3A_112] : memref<384x128xf32, #tpu.memory_space<vmem>> -> memref<96x128xf32, #tpu.memory_space<vmem>>
    tpu.enqueue_dma source(%dma_start3A_113 : memref<96x128xf32, #tpu.memory_space<vmem>>) target(%dma_start3A_110 : memref<96x128xf32, #tpu.memory_space<hbm>>) target_semaphore(%arg8 : memref<!tpu.dma_semaphore, #tpu.memory_space<semaphore_mem>>)
    %dma_wait3A_114 = arith.constant 3 : i32
    %dma_wait3A_115 = arith.constant 288 : i32
    %dma_wait3A_116 = arith.constant 0 : i32
    %dma_wait3A_117 = tpu.memref_slice %arg6[%dma_wait3A_115, %dma_wait3A_116] : memref<384x128xf32, #tpu.memory_space<vmem>> -> memref<96x128xf32, #tpu.memory_space<vmem>>
    %dma_wait3A_118 = arith.constant 288 : i32
    %dma_wait3A_119 = tpu.memref_slice %arg5[%dma_wait3A_118] : memref<384xi32, #tpu.memory_space<vmem>> -> memref<96xi32, #tpu.memory_space<vmem>>
    %dma_wait3A_120 = arith.constant 0 : i32
    %dma_wait3A_121 = arith.constant 0 : i32
    %dma_wait3A_122 = tpu.memref_slice %arg3[%dma_wait3A_120, %dma_wait3A_121] : memref<100000x128xf32, #tpu.memory_space<hbm>> -> memref<100000x128xf32, #tpu.memory_space<hbm>>
    %dma_wait3A_123 = tpu.memref_slice %arg7[%dma_wait3A_114] : memref<4x!tpu.dma_semaphore, #tpu.memory_space<semaphore_mem>> -> memref<1x!tpu.dma_semaphore, #tpu.memory_space<semaphore_mem>>
    %dma_wait3A_124 = tpu.memref_squeeze %dma_wait3A_123 : memref<1x!tpu.dma_semaphore, #tpu.memory_space<semaphore_mem>> -> memref<!tpu.dma_semaphore, #tpu.memory_space<semaphore_mem>>
    tpu.wait_indirect_dma semaphore(%dma_wait3A_124 : memref<!tpu.dma_semaphore, #tpu.memory_space<semaphore_mem>>) src(%dma_wait3A_122 : memref<100000x128xf32, #tpu.memory_space<hbm>>) dst(%dma_wait3A_117 : memref<96x128xf32, #tpu.memory_space<vmem>>)
    %add3A_125 = arith.constant 288 : i32
    %add3A_126 = arith.addi %mul3A_2, %add3A_125 : i32
    %dma_start3A_127 = arith.constant 288 : i32
    %dma_start3A_128 = arith.constant 0 : i32
    %dma_start3A_129 = tpu.memref_slice %arg6[%dma_start3A_127, %dma_start3A_128] : memref<384x128xf32, #tpu.memory_space<vmem>> -> memref<96x128xf32, #tpu.memory_space<vmem>>
    %dma_start3A_130 = arith.constant 0 : i32
    %dma_start3A_131 = tpu.memref_slice %arg4[%add3A_126, %dma_start3A_130] : memref<12288x128xf32, #tpu.memory_space<hbm>> -> memref<96x128xf32, #tpu.memory_space<hbm>>
    %dma_start3A_132 = arith.constant 0 : i32
    %dma_start3A_133 = tpu.memref_slice %arg4[%add3A_126, %dma_start3A_132] : memref<12288x128xf32, #tpu.memory_space<hbm>> -> memref<96x128xf32, #tpu.memory_space<hbm>>
    %dma_start3A_134 = arith.constant 288 : i32
    %dma_start3A_135 = arith.constant 0 : i32
    %dma_start3A_136 = tpu.memref_slice %arg6[%dma_start3A_134, %dma_start3A_135] : memref<384x128xf32, #tpu.memory_space<vmem>> -> memref<96x128xf32, #tpu.memory_space<vmem>>
    tpu.enqueue_dma source(%dma_start3A_136 : memref<96x128xf32, #tpu.memory_space<vmem>>) target(%dma_start3A_133 : memref<96x128xf32, #tpu.memory_space<hbm>>) target_semaphore(%arg8 : memref<!tpu.dma_semaphore, #tpu.memory_space<semaphore_mem>>)
    %dma_wait3A_137 = arith.constant 0 : i32
    %dma_wait3A_138 = arith.constant 0 : i32
    %dma_wait3A_139 = tpu.memref_slice %arg6[%dma_wait3A_137, %dma_wait3A_138] : memref<384x128xf32, #tpu.memory_space<vmem>> -> memref<96x128xf32, #tpu.memory_space<vmem>>
    %dma_wait3A_140 = arith.constant 0 : i32
    %dma_wait3A_141 = tpu.memref_slice %arg4[%add3A_57, %dma_wait3A_140] : memref<12288x128xf32, #tpu.memory_space<hbm>> -> memref<96x128xf32, #tpu.memory_space<hbm>>
    %dma_wait3A_142 = arith.constant 0 : i32
    %dma_wait3A_143 = tpu.memref_slice %arg4[%add3A_57, %dma_wait3A_142] : memref<12288x128xf32, #tpu.memory_space<hbm>> -> memref<96x128xf32, #tpu.memory_space<hbm>>
    %dma_wait3A_144 = arith.constant 0 : i32
    %dma_wait3A_145 = arith.constant 0 : i32
    %dma_wait3A_146 = tpu.memref_slice %arg6[%dma_wait3A_144, %dma_wait3A_145] : memref<384x128xf32, #tpu.memory_space<vmem>> -> memref<96x128xf32, #tpu.memory_space<vmem>>
    tpu.wait_dma2 semaphore(%arg8 : memref<!tpu.dma_semaphore, #tpu.memory_space<semaphore_mem>>) src(%dma_wait3A_146 : memref<96x128xf32, #tpu.memory_space<vmem>>) dst(%dma_wait3A_143 : memref<96x128xf32, #tpu.memory_space<hbm>>)
    %dma_wait3A_147 = arith.constant 96 : i32
    %dma_wait3A_148 = arith.constant 0 : i32
    %dma_wait3A_149 = tpu.memref_slice %arg6[%dma_wait3A_147, %dma_wait3A_148] : memref<384x128xf32, #tpu.memory_space<vmem>> -> memref<96x128xf32, #tpu.memory_space<vmem>>
    %dma_wait3A_150 = arith.constant 0 : i32
    %dma_wait3A_151 = tpu.memref_slice %arg4[%add3A_80, %dma_wait3A_150] : memref<12288x128xf32, #tpu.memory_space<hbm>> -> memref<96x128xf32, #tpu.memory_space<hbm>>
    %dma_wait3A_152 = arith.constant 0 : i32
    %dma_wait3A_153 = tpu.memref_slice %arg4[%add3A_80, %dma_wait3A_152] : memref<12288x128xf32, #tpu.memory_space<hbm>> -> memref<96x128xf32, #tpu.memory_space<hbm>>
    %dma_wait3A_154 = arith.constant 96 : i32
    %dma_wait3A_155 = arith.constant 0 : i32
    %dma_wait3A_156 = tpu.memref_slice %arg6[%dma_wait3A_154, %dma_wait3A_155] : memref<384x128xf32, #tpu.memory_space<vmem>> -> memref<96x128xf32, #tpu.memory_space<vmem>>
    tpu.wait_dma2 semaphore(%arg8 : memref<!tpu.dma_semaphore, #tpu.memory_space<semaphore_mem>>) src(%dma_wait3A_156 : memref<96x128xf32, #tpu.memory_space<vmem>>) dst(%dma_wait3A_153 : memref<96x128xf32, #tpu.memory_space<hbm>>)
    %dma_wait3A_157 = arith.constant 192 : i32
    %dma_wait3A_158 = arith.constant 0 : i32
    %dma_wait3A_159 = tpu.memref_slice %arg6[%dma_wait3A_157, %dma_wait3A_158] : memref<384x128xf32, #tpu.memory_space<vmem>> -> memref<96x128xf32, #tpu.memory_space<vmem>>
    %dma_wait3A_160 = arith.constant 0 : i32
    %dma_wait3A_161 = tpu.memref_slice %arg4[%add3A_103, %dma_wait3A_160] : memref<12288x128xf32, #tpu.memory_space<hbm>> -> memref<96x128xf32, #tpu.memory_space<hbm>>
    %dma_wait3A_162 = arith.constant 0 : i32
    %dma_wait3A_163 = tpu.memref_slice %arg4[%add3A_103, %dma_wait3A_162] : memref<12288x128xf32, #tpu.memory_space<hbm>> -> memref<96x128xf32, #tpu.memory_space<hbm>>
    %dma_wait3A_164 = arith.constant 192 : i32
    %dma_wait3A_165 = arith.constant 0 : i32
    %dma_wait3A_166 = tpu.memref_slice %arg6[%dma_wait3A_164, %dma_wait3A_165] : memref<384x128xf32, #tpu.memory_space<vmem>> -> memref<96x128xf32, #tpu.memory_space<vmem>>
    tpu.wait_dma2 semaphore(%arg8 : memref<!tpu.dma_semaphore, #tpu.memory_space<semaphore_mem>>) src(%dma_wait3A_166 : memref<96x128xf32, #tpu.memory_space<vmem>>) dst(%dma_wait3A_163 : memref<96x128xf32, #tpu.memory_space<hbm>>)
    %dma_wait3A_167 = arith.constant 288 : i32
    %dma_wait3A_168 = arith.constant 0 : i32
    %dma_wait3A_169 = tpu.memref_slice %arg6[%dma_wait3A_167, %dma_wait3A_168] : memref<384x128xf32, #tpu.memory_space<vmem>> -> memref<96x128xf32, #tpu.memory_space<vmem>>
    %dma_wait3A_170 = arith.constant 0 : i32
    %dma_wait3A_171 = tpu.memref_slice %arg4[%add3A_126, %dma_wait3A_170] : memref<12288x128xf32, #tpu.memory_space<hbm>> -> memref<96x128xf32, #tpu.memory_space<hbm>>
    %dma_wait3A_172 = arith.constant 0 : i32
    %dma_wait3A_173 = tpu.memref_slice %arg4[%add3A_126, %dma_wait3A_172] : memref<12288x128xf32, #tpu.memory_space<hbm>> -> memref<96x128xf32, #tpu.memory_space<hbm>>
    %dma_wait3A_174 = arith.constant 288 : i32
    %dma_wait3A_175 = arith.constant 0 : i32
    %dma_wait3A_176 = tpu.memref_slice %arg6[%dma_wait3A_174, %dma_wait3A_175] : memref<384x128xf32, #tpu.memory_space<vmem>> -> memref<96x128xf32, #tpu.memory_space<vmem>>
    tpu.wait_dma2 semaphore(%arg8 : memref<!tpu.dma_semaphore, #tpu.memory_space<semaphore_mem>>) src(%dma_wait3A_176 : memref<96x128xf32, #tpu.memory_space<vmem>>) dst(%dma_wait3A_173 : memref<96x128xf32, #tpu.memory_space<hbm>>)
    return
  }
}

module attributes {stable_mosaic.version = 14 : i64} {
  func.func @tc_mlp_a(%arg0: i32, %arg1: memref<1x1x4096xi32, #tpu.memory_space<vmem>>, %arg2: memref<4096x128xf32, #tpu.memory_space<vmem>>, %arg3: memref<12x128xf32, #tpu.memory_space<vmem>>, %arg4: memref<2x128x128xf32, #tpu.memory_space<vmem>>, %arg5: memref<1x128xf32, #tpu.memory_space<vmem>>, %arg6: memref<128x128xf32, #tpu.memory_space<vmem>>, %arg7: memref<1x128xf32, #tpu.memory_space<vmem>>, %arg8: memref<4096x128xf32, #tpu.memory_space<vmem>>) attributes {dimension_semantics = [#tpu.dimension_semantics<arbitrary>], iteration_bounds = array<i64: 1>, scalar_prefetch = 0 : i64, scratch_operands = 0 : i64, tpu.core_type = #tpu.core_type<tc>, window_params = [{transform_indices = @transform_0, window_bounds = array<i64: 1, 1, 4096>}, {transform_indices = @transform_1, window_bounds = array<i64: 4096, 128>}, {pipeline_mode = #tpu.pipeline_mode<synchronous>, transform_indices = @transform_2, window_bounds = array<i64: 12, 128>}, {pipeline_mode = #tpu.pipeline_mode<synchronous>, transform_indices = @transform_3, window_bounds = array<i64: 2, 128, 128>}, {pipeline_mode = #tpu.pipeline_mode<synchronous>, transform_indices = @transform_4, window_bounds = array<i64: 1, 128>}, {pipeline_mode = #tpu.pipeline_mode<synchronous>, transform_indices = @transform_5, window_bounds = array<i64: 128, 128>}, {pipeline_mode = #tpu.pipeline_mode<synchronous>, transform_indices = @transform_6, window_bounds = array<i64: 1, 128>}, {transform_indices = @transform_7, window_bounds = array<i64: 4096, 128>}]} {
    %get3A = arith.constant 0 : index
    %get3A_0 = arith.constant 0 : index
    %get3A_1 = vector.load %arg3[%get3A, %get3A_0] : memref<12x128xf32, #tpu.memory_space<vmem>>, vector<12x128xf32>
    %get3A_2 = arith.constant 0 : index
    %get3A_3 = arith.constant 0 : index
    %get3A_4 = arith.constant 0 : index
    %get3A_5 = vector.load %arg4[%get3A_2, %get3A_3, %get3A_4] : memref<2x128x128xf32, #tpu.memory_space<vmem>>, vector<1x128x128xf32>
    %get3A_6 = vector.shape_cast %get3A_5 : vector<1x128x128xf32> to vector<128x128xf32>
    %dot_general3A = arith.constant dense<0.000000e+00> : vector<12x128xf32>
    %dot_general3A_7 = tpu.matmul %get3A_1, %get3A_6, %dot_general3A {dimension_numbers = #tpu.dot_dimension_numbers<[1], [0], [0], [1], [0, 0, 1, 1], [], []>, transpose_lhs_hint = false} : vector<12x128xf32>, vector<128x128xf32>, vector<12x128xf32> -> vector<12x128xf32>
    %get3A_8 = arith.constant 0 : index
    %get3A_9 = arith.constant 0 : index
    %get3A_10 = arith.constant 0 : index
    %get3A_11 = vector.load %arg1[%get3A_8, %get3A_9, %get3A_10] : memref<1x1x4096xi32, #tpu.memory_space<vmem>>, vector<1x1x4096xi32>
    %get3A_12 = vector.shape_cast %get3A_11 : vector<1x1x4096xi32> to vector<4096xi32>
    %broadcast_in_dim3A = vector.shape_cast %get3A_12 : vector<4096xi32> to vector<4096x1xi32>
    %iota3A = tpu.iota {dimensions = array<i32: 1>} : vector<4096x12xi32>
    %eq3A = vector.broadcast %broadcast_in_dim3A : vector<4096x1xi32> to vector<4096x12xi32>
    %eq3A_13 = arith.cmpi eq, %eq3A, %iota3A : vector<4096x12xi32>
    %convert_element_type3A = arith.extui %eq3A_13 : vector<4096x12xi1> to vector<4096x12xi32>
    %convert_element_type3A_14 = arith.sitofp %convert_element_type3A : vector<4096x12xi32> to vector<4096x12xf32>
    %dot_general3A_15 = arith.constant dense<0.000000e+00> : vector<4096x128xf32>
    %dot_general3A_16 = tpu.matmul %convert_element_type3A_14, %dot_general3A_7, %dot_general3A_15 {dimension_numbers = #tpu.dot_dimension_numbers<[1], [0], [0], [1], [0, 0, 1, 1], [], []>, transpose_lhs_hint = false} : vector<4096x12xf32>, vector<12x128xf32>, vector<4096x128xf32> -> vector<4096x128xf32>
    %get3A_17 = arith.constant 0 : index
    %get3A_18 = arith.constant 0 : index
    %get3A_19 = vector.load %arg2[%get3A_17, %get3A_18] : memref<4096x128xf32, #tpu.memory_space<vmem>>, vector<4096x128xf32>
    %get3A_20 = arith.constant 1 : index
    %get3A_21 = arith.constant 0 : index
    %get3A_22 = arith.constant 0 : index
    %get3A_23 = vector.load %arg4[%get3A_20, %get3A_21, %get3A_22] : memref<2x128x128xf32, #tpu.memory_space<vmem>>, vector<1x128x128xf32>
    %get3A_24 = vector.shape_cast %get3A_23 : vector<1x128x128xf32> to vector<128x128xf32>
    %dot_general3A_25 = arith.constant dense<0.000000e+00> : vector<4096x128xf32>
    %dot_general3A_26 = tpu.matmul %get3A_19, %get3A_24, %dot_general3A_25 {dimension_numbers = #tpu.dot_dimension_numbers<[1], [0], [0], [1], [0, 0, 1, 1], [], []>, transpose_lhs_hint = false} : vector<4096x128xf32>, vector<128x128xf32>, vector<4096x128xf32> -> vector<4096x128xf32>
    %add3A = arith.addf %dot_general3A_16, %dot_general3A_26 : vector<4096x128xf32>
    %get3A_27 = arith.constant 0 : index
    %get3A_28 = arith.constant 0 : index
    %get3A_29 = vector.load %arg5[%get3A_27, %get3A_28] : memref<1x128xf32, #tpu.memory_space<vmem>>, vector<1x128xf32>
    %add3A_30 = vector.broadcast %get3A_29 : vector<1x128xf32> to vector<4096x128xf32>
    %add3A_31 = arith.addf %add3A, %add3A_30 : vector<4096x128xf32>
    %logistic3A = arith.negf %add3A_31 : vector<4096x128xf32>
    %logistic3A_32 = math.exp %logistic3A : vector<4096x128xf32>
    %logistic3A_33 = arith.constant 1.000000e+00 : f32
    %logistic3A_34 = vector.broadcast %logistic3A_33 : f32 to vector<4096x128xf32>
    %logistic3A_35 = arith.addf %logistic3A_34, %logistic3A_32 : vector<4096x128xf32>
    %logistic3A_36 = arith.divf %logistic3A_34, %logistic3A_35 : vector<4096x128xf32>
    %mul3A = arith.mulf %add3A_31, %logistic3A_36 : vector<4096x128xf32>
    %get3A_37 = arith.constant 0 : index
    %get3A_38 = arith.constant 0 : index
    %get3A_39 = vector.load %arg6[%get3A_37, %get3A_38] : memref<128x128xf32, #tpu.memory_space<vmem>>, vector<128x128xf32>
    %dot_general3A_40 = arith.constant dense<0.000000e+00> : vector<4096x128xf32>
    %dot_general3A_41 = tpu.matmul %mul3A, %get3A_39, %dot_general3A_40 {dimension_numbers = #tpu.dot_dimension_numbers<[1], [0], [0], [1], [0, 0, 1, 1], [], []>, transpose_lhs_hint = false} : vector<4096x128xf32>, vector<128x128xf32>, vector<4096x128xf32> -> vector<4096x128xf32>
    %get3A_42 = arith.constant 0 : index
    %get3A_43 = arith.constant 0 : index
    %get3A_44 = vector.load %arg7[%get3A_42, %get3A_43] : memref<1x128xf32, #tpu.memory_space<vmem>>, vector<1x128xf32>
    %add3A_45 = vector.broadcast %get3A_44 : vector<1x128xf32> to vector<4096x128xf32>
    %add3A_46 = arith.addf %dot_general3A_41, %add3A_45 : vector<4096x128xf32>
    %swap3A = arith.constant 0 : index
    %swap3A_47 = arith.constant 0 : index
    %swap3A_48 = vector.load %arg8[%swap3A, %swap3A_47] : memref<4096x128xf32, #tpu.memory_space<vmem>>, vector<4096x128xf32>
    tpu.vector_store %arg8[%swap3A, %swap3A_47], %add3A_46 {strides = array<i32>} : memref<4096x128xf32, #tpu.memory_space<vmem>>, vector<4096x128xf32>,
    return
  }
  func.func @transform_0(%arg0: i32) -> (i32, i32, i32) {
    %add3A = arith.constant 3 : i32
    %add3A_0 = arith.addi %arg0, %add3A : i32
    %c0_i32 = arith.constant 0 : i32
    %c0_i32_1 = arith.constant 0 : i32
    %c0_i32_2 = arith.constant 0 : i32
    return %c0_i32, %c0_i32_1, %add3A_0 : i32, i32, i32
  }
  func.func @transform_1(%arg0: i32) -> (i32, i32) {
    %c0_i32 = arith.constant 0 : i32
    %c0_i32_0 = arith.constant 0 : i32
    return %arg0, %c0_i32 : i32, i32
  }
  func.func @transform_2(%arg0: i32) -> (i32, i32) {
    %c0_i32 = arith.constant 0 : i32
    %c0_i32_0 = arith.constant 0 : i32
    %c0_i32_1 = arith.constant 0 : i32
    return %c0_i32, %c0_i32_0 : i32, i32
  }
  func.func @transform_3(%arg0: i32) -> (i32, i32, i32) {
    %c0_i32 = arith.constant 0 : i32
    %c0_i32_0 = arith.constant 0 : i32
    %c0_i32_1 = arith.constant 0 : i32
    %c0_i32_2 = arith.constant 0 : i32
    return %c0_i32, %c0_i32_0, %c0_i32_1 : i32, i32, i32
  }
  func.func @transform_4(%arg0: i32) -> (i32, i32) {
    %c0_i32 = arith.constant 0 : i32
    %c0_i32_0 = arith.constant 0 : i32
    %c0_i32_1 = arith.constant 0 : i32
    return %c0_i32, %c0_i32_0 : i32, i32
  }
  func.func @transform_5(%arg0: i32) -> (i32, i32) {
    %c0_i32 = arith.constant 0 : i32
    %c0_i32_0 = arith.constant 0 : i32
    %c0_i32_1 = arith.constant 0 : i32
    return %c0_i32, %c0_i32_0 : i32, i32
  }
  func.func @transform_6(%arg0: i32) -> (i32, i32) {
    %c0_i32 = arith.constant 0 : i32
    %c0_i32_0 = arith.constant 0 : i32
    %c0_i32_1 = arith.constant 0 : i32
    return %c0_i32, %c0_i32_0 : i32, i32
  }
  func.func @transform_7(%arg0: i32) -> (i32, i32) {
    %add3A = arith.constant 3 : i32
    %add3A_0 = arith.addi %arg0, %add3A : i32
    %c0_i32 = arith.constant 0 : i32
    %c0_i32_1 = arith.constant 0 : i32
    return %add3A_0, %c0_i32 : i32, i32
  }
}

module attributes {stable_mosaic.version = 14 : i64} {
  func.func @tc_mlp_b(%arg0: i32, %arg1: memref<16384x128xf32, #tpu.memory_space<any>>, %arg2: memref<1x1x4096xi32, #tpu.memory_space<vmem>>, %arg3: memref<4096x128xf32, #tpu.memory_space<vmem>>, %arg4: memref<12x128xf32, #tpu.memory_space<vmem>>, %arg5: memref<2x128x128xf32, #tpu.memory_space<vmem>>, %arg6: memref<1x128xf32, #tpu.memory_space<vmem>>, %arg7: memref<128x128xf32, #tpu.memory_space<vmem>>, %arg8: memref<1x128xf32, #tpu.memory_space<vmem>>, %arg9: memref<4096x128xf32, #tpu.memory_space<vmem>>) attributes {dimension_semantics = [#tpu.dimension_semantics<arbitrary>], iteration_bounds = array<i64: 3>, scalar_prefetch = 0 : i64, scratch_operands = 0 : i64, tpu.core_type = #tpu.core_type<tc>, window_params = [{}, {transform_indices = @transform_1, window_bounds = array<i64: 1, 1, 4096>}, {transform_indices = @transform_2, window_bounds = array<i64: 4096, 128>}, {pipeline_mode = #tpu.pipeline_mode<synchronous>, transform_indices = @transform_3, window_bounds = array<i64: 12, 128>}, {pipeline_mode = #tpu.pipeline_mode<synchronous>, transform_indices = @transform_4, window_bounds = array<i64: 2, 128, 128>}, {pipeline_mode = #tpu.pipeline_mode<synchronous>, transform_indices = @transform_5, window_bounds = array<i64: 1, 128>}, {pipeline_mode = #tpu.pipeline_mode<synchronous>, transform_indices = @transform_6, window_bounds = array<i64: 128, 128>}, {pipeline_mode = #tpu.pipeline_mode<synchronous>, transform_indices = @transform_7, window_bounds = array<i64: 1, 128>}, {transform_indices = @transform_8, window_bounds = array<i64: 4096, 128>}]} {
    %get3A = arith.constant 0 : index
    %get3A_0 = arith.constant 0 : index
    %get3A_1 = vector.load %arg4[%get3A, %get3A_0] : memref<12x128xf32, #tpu.memory_space<vmem>>, vector<12x128xf32>
    %get3A_2 = arith.constant 0 : index
    %get3A_3 = arith.constant 0 : index
    %get3A_4 = arith.constant 0 : index
    %get3A_5 = vector.load %arg5[%get3A_2, %get3A_3, %get3A_4] : memref<2x128x128xf32, #tpu.memory_space<vmem>>, vector<1x128x128xf32>
    %get3A_6 = vector.shape_cast %get3A_5 : vector<1x128x128xf32> to vector<128x128xf32>
    %dot_general3A = arith.constant dense<0.000000e+00> : vector<12x128xf32>
    %dot_general3A_7 = tpu.matmul %get3A_1, %get3A_6, %dot_general3A {dimension_numbers = #tpu.dot_dimension_numbers<[1], [0], [0], [1], [0, 0, 1, 1], [], []>, transpose_lhs_hint = false} : vector<12x128xf32>, vector<128x128xf32>, vector<12x128xf32> -> vector<12x128xf32>
    %get3A_8 = arith.constant 0 : index
    %get3A_9 = arith.constant 0 : index
    %get3A_10 = arith.constant 0 : index
    %get3A_11 = vector.load %arg2[%get3A_8, %get3A_9, %get3A_10] : memref<1x1x4096xi32, #tpu.memory_space<vmem>>, vector<1x1x4096xi32>
    %get3A_12 = vector.shape_cast %get3A_11 : vector<1x1x4096xi32> to vector<4096xi32>
    %broadcast_in_dim3A = vector.shape_cast %get3A_12 : vector<4096xi32> to vector<4096x1xi32>
    %iota3A = tpu.iota {dimensions = array<i32: 1>} : vector<4096x12xi32>
    %eq3A = vector.broadcast %broadcast_in_dim3A : vector<4096x1xi32> to vector<4096x12xi32>
    %eq3A_13 = arith.cmpi eq, %eq3A, %iota3A : vector<4096x12xi32>
    %convert_element_type3A = arith.extui %eq3A_13 : vector<4096x12xi1> to vector<4096x12xi32>
    %convert_element_type3A_14 = arith.sitofp %convert_element_type3A : vector<4096x12xi32> to vector<4096x12xf32>
    %dot_general3A_15 = arith.constant dense<0.000000e+00> : vector<4096x128xf32>
    %dot_general3A_16 = tpu.matmul %convert_element_type3A_14, %dot_general3A_7, %dot_general3A_15 {dimension_numbers = #tpu.dot_dimension_numbers<[1], [0], [0], [1], [0, 0, 1, 1], [], []>, transpose_lhs_hint = false} : vector<4096x12xf32>, vector<12x128xf32>, vector<4096x128xf32> -> vector<4096x128xf32>
    %get3A_17 = arith.constant 0 : index
    %get3A_18 = arith.constant 0 : index
    %get3A_19 = vector.load %arg3[%get3A_17, %get3A_18] : memref<4096x128xf32, #tpu.memory_space<vmem>>, vector<4096x128xf32>
    %get3A_20 = arith.constant 1 : index
    %get3A_21 = arith.constant 0 : index
    %get3A_22 = arith.constant 0 : index
    %get3A_23 = vector.load %arg5[%get3A_20, %get3A_21, %get3A_22] : memref<2x128x128xf32, #tpu.memory_space<vmem>>, vector<1x128x128xf32>
    %get3A_24 = vector.shape_cast %get3A_23 : vector<1x128x128xf32> to vector<128x128xf32>
    %dot_general3A_25 = arith.constant dense<0.000000e+00> : vector<4096x128xf32>
    %dot_general3A_26 = tpu.matmul %get3A_19, %get3A_24, %dot_general3A_25 {dimension_numbers = #tpu.dot_dimension_numbers<[1], [0], [0], [1], [0, 0, 1, 1], [], []>, transpose_lhs_hint = false} : vector<4096x128xf32>, vector<128x128xf32>, vector<4096x128xf32> -> vector<4096x128xf32>
    %add3A = arith.addf %dot_general3A_16, %dot_general3A_26 : vector<4096x128xf32>
    %get3A_27 = arith.constant 0 : index
    %get3A_28 = arith.constant 0 : index
    %get3A_29 = vector.load %arg6[%get3A_27, %get3A_28] : memref<1x128xf32, #tpu.memory_space<vmem>>, vector<1x128xf32>
    %add3A_30 = vector.broadcast %get3A_29 : vector<1x128xf32> to vector<4096x128xf32>
    %add3A_31 = arith.addf %add3A, %add3A_30 : vector<4096x128xf32>
    %logistic3A = arith.negf %add3A_31 : vector<4096x128xf32>
    %logistic3A_32 = math.exp %logistic3A : vector<4096x128xf32>
    %logistic3A_33 = arith.constant 1.000000e+00 : f32
    %logistic3A_34 = vector.broadcast %logistic3A_33 : f32 to vector<4096x128xf32>
    %logistic3A_35 = arith.addf %logistic3A_34, %logistic3A_32 : vector<4096x128xf32>
    %logistic3A_36 = arith.divf %logistic3A_34, %logistic3A_35 : vector<4096x128xf32>
    %mul3A = arith.mulf %add3A_31, %logistic3A_36 : vector<4096x128xf32>
    %get3A_37 = arith.constant 0 : index
    %get3A_38 = arith.constant 0 : index
    %get3A_39 = vector.load %arg7[%get3A_37, %get3A_38] : memref<128x128xf32, #tpu.memory_space<vmem>>, vector<128x128xf32>
    %dot_general3A_40 = arith.constant dense<0.000000e+00> : vector<4096x128xf32>
    %dot_general3A_41 = tpu.matmul %mul3A, %get3A_39, %dot_general3A_40 {dimension_numbers = #tpu.dot_dimension_numbers<[1], [0], [0], [1], [0, 0, 1, 1], [], []>, transpose_lhs_hint = false} : vector<4096x128xf32>, vector<128x128xf32>, vector<4096x128xf32> -> vector<4096x128xf32>
    %get3A_42 = arith.constant 0 : index
    %get3A_43 = arith.constant 0 : index
    %get3A_44 = vector.load %arg8[%get3A_42, %get3A_43] : memref<1x128xf32, #tpu.memory_space<vmem>>, vector<1x128xf32>
    %add3A_45 = vector.broadcast %get3A_44 : vector<1x128xf32> to vector<4096x128xf32>
    %add3A_46 = arith.addf %dot_general3A_41, %add3A_45 : vector<4096x128xf32>
    %swap3A = arith.constant 0 : index
    %swap3A_47 = arith.constant 0 : index
    %swap3A_48 = vector.load %arg9[%swap3A, %swap3A_47] : memref<4096x128xf32, #tpu.memory_space<vmem>>, vector<4096x128xf32>
    tpu.vector_store %arg9[%swap3A, %swap3A_47], %add3A_46 {strides = array<i32>} : memref<4096x128xf32, #tpu.memory_space<vmem>>, vector<4096x128xf32>,
    return
  }
  func.func @transform_1(%arg0: i32) -> (i32, i32, i32) {
    %add3A = arith.constant 0 : i32
    %add3A_0 = arith.addi %arg0, %add3A : i32
    %c0_i32 = arith.constant 0 : i32
    %c0_i32_1 = arith.constant 0 : i32
    %c0_i32_2 = arith.constant 0 : i32
    return %c0_i32, %c0_i32_1, %add3A_0 : i32, i32, i32
  }
  func.func @transform_2(%arg0: i32) -> (i32, i32) {
    %c0_i32 = arith.constant 0 : i32
    %c0_i32_0 = arith.constant 0 : i32
    return %arg0, %c0_i32 : i32, i32
  }
  func.func @transform_3(%arg0: i32) -> (i32, i32) {
    %c0_i32 = arith.constant 0 : i32
    %c0_i32_0 = arith.constant 0 : i32
    %c0_i32_1 = arith.constant 0 : i32
    return %c0_i32, %c0_i32_0 : i32, i32
  }
  func.func @transform_4(%arg0: i32) -> (i32, i32, i32) {
    %c0_i32 = arith.constant 0 : i32
    %c0_i32_0 = arith.constant 0 : i32
    %c0_i32_1 = arith.constant 0 : i32
    %c0_i32_2 = arith.constant 0 : i32
    return %c0_i32, %c0_i32_0, %c0_i32_1 : i32, i32, i32
  }
  func.func @transform_5(%arg0: i32) -> (i32, i32) {
    %c0_i32 = arith.constant 0 : i32
    %c0_i32_0 = arith.constant 0 : i32
    %c0_i32_1 = arith.constant 0 : i32
    return %c0_i32, %c0_i32_0 : i32, i32
  }
  func.func @transform_6(%arg0: i32) -> (i32, i32) {
    %c0_i32 = arith.constant 0 : i32
    %c0_i32_0 = arith.constant 0 : i32
    %c0_i32_1 = arith.constant 0 : i32
    return %c0_i32, %c0_i32_0 : i32, i32
  }
  func.func @transform_7(%arg0: i32) -> (i32, i32) {
    %c0_i32 = arith.constant 0 : i32
    %c0_i32_0 = arith.constant 0 : i32
    %c0_i32_1 = arith.constant 0 : i32
    return %c0_i32, %c0_i32_0 : i32, i32
  }
  func.func @transform_8(%arg0: i32) -> (i32, i32) {
    %add3A = arith.constant 0 : i32
    %add3A_0 = arith.addi %arg0, %add3A : i32
    %c0_i32 = arith.constant 0 : i32
    %c0_i32_1 = arith.constant 0 : i32
    return %add3A_0, %c0_i32 : i32, i32
  }
}

module attributes {stable_mosaic.version = 14 : i64} {
  func.func @tc_gather(%arg0: i32, %arg1: memref<2x1x2048xi32, #tpu.memory_space<smem>>, %arg2: memref<100000x128xf32, #tpu.memory_space<any>>, %arg3: memref<2048x128xf32, #tpu.memory_space<vmem>>, %arg4: memref<!tpu.dma_semaphore, #tpu.memory_space<semaphore_mem>>) attributes {dimension_semantics = [#tpu.dimension_semantics<arbitrary>], iteration_bounds = array<i64: 2>, scalar_prefetch = 0 : i64, scratch_operands = 1 : i64, tpu.core_type = #tpu.core_type<tc>, window_params = [{transform_indices = @transform_0, window_bounds = array<i64: 2, 1, 2048>}, {}, {transform_indices = @transform_2, window_bounds = array<i64: 2048, 128>}]} {
    %scan3A = arith.constant 0 : i32
    %scan3A_0 = arith.constant 2048 : i32
    %scan3A_1 = arith.addi %scan3A, %scan3A_0 : i32
    %scan3A_2 = arith.constant 1 : i32
    scf.for %scan3A_6 = %scan3A to %scan3A_1 step %scan3A_2  : i32 {
      %get3A = arith.constant 1 : index
      %get3A_7 = arith.constant 0 : index
      %get3A_8 = arith.index_cast %scan3A_6 : i32 to index
      %get3A_9 = memref.load %arg1[%get3A, %get3A_7, %get3A_8] : memref<2x1x2048xi32, #tpu.memory_space<smem>>
      %dma_start3A = arith.constant 0 : i32
      %dma_start3A_10 = tpu.memref_slice %arg3[%scan3A_6, %dma_start3A] : memref<2048x128xf32, #tpu.memory_space<vmem>> -> memref<1x128xf32, #tpu.memory_space<vmem>>
      %dma_start3A_11 = arith.constant 0 : i32
      %dma_start3A_12 = tpu.memref_slice %arg2[%get3A_9, %dma_start3A_11] : memref<100000x128xf32, #tpu.memory_space<any>> -> memref<1x128xf32, #tpu.memory_space<any>>
      tpu.enqueue_dma source(%dma_start3A_12 : memref<1x128xf32, #tpu.memory_space<any>>) target(%dma_start3A_10 : memref<1x128xf32, #tpu.memory_space<vmem>>) target_semaphore(%arg4 : memref<!tpu.dma_semaphore, #tpu.memory_space<semaphore_mem>>)
    }
    %scan3A_3 = arith.constant 2048 : i32
    %dma_wait3A = arith.constant 0 : i32
    %dma_wait3A_4 = arith.constant 0 : i32
    %dma_wait3A_5 = tpu.memref_slice %arg2[%dma_wait3A, %dma_wait3A_4] : memref<100000x128xf32, #tpu.memory_space<any>> -> memref<2048x128xf32, #tpu.memory_space<any>>
    tpu.wait_dma2 semaphore(%arg4 : memref<!tpu.dma_semaphore, #tpu.memory_space<semaphore_mem>>) src(%dma_wait3A_5 : memref<2048x128xf32, #tpu.memory_space<any>>) dst(%arg3 : memref<2048x128xf32, #tpu.memory_space<vmem>>)
    return
  }
  func.func @transform_0(%arg0: i32) -> (i32, i32, i32) {
    %add3A = arith.constant 6 : i32
    %add3A_0 = arith.addi %arg0, %add3A : i32
    %c0_i32 = arith.constant 0 : i32
    %c0_i32_1 = arith.constant 0 : i32
    %c0_i32_2 = arith.constant 0 : i32
    return %c0_i32, %c0_i32_1, %add3A_0 : i32, i32, i32
  }
  func.func @transform_2(%arg0: i32) -> (i32, i32) {
    %c0_i32 = arith.constant 0 : i32
    %c0_i32_0 = arith.constant 0 : i32
    return %arg0, %c0_i32 : i32, i32
  }
}

</mosaic_0001>

<sc_bundles>
// kernel: sc_gather.3.cloned.1.call-start
scs
__scs_entry_jumppad:
0x0: {  	(pc) =	sbr.rel $0x88, $3  }
0x1: {  	(tag) =	ssettag $0x0;
	lr =	simm.s32 $0x1  }
0x2: {  	[smem:$0x3F9A] =	sst lr;
	_ =	strace $0xD0000000  }
0x3: {  	_ = 	snop  }
0x4: {  	_ = 	snop  }
0x5: {  	_ = 	snop  }
0x6: {  	_ = 	snop  }
0x7: {  	_ = 	snop  }
__scs_overlays_trampoline_lowered:
0x8: {  	[smem:$0x3FA9] =	sst s0  }
0x9: {  	[smem:$0x3FAA] =	sst s1  }
0xa: {  	[smem:$0x3FAB] =	sst s2  }
0xb: {  	[smem:$0x3FAC] =	sst s3  }
0xc: {  	[smem:$0x3FAD] =	sst s4  }
0xd: {  	[smem:$0x3FAE] =	sst s5  }
0xe: {  	[smem:$0x3FAF] =	sst s6  }
0xf: {  	[smem:$0x3FB0] =	sst s7  }
0x10: {  	[smem:$0x3FB1] =	sst s8  }
0x11: {  	[smem:$0x3FB2] =	sst s9;
	s0 =	simm.s32 @!p0 $0x0  }
0x12: {  	s1 =	sld [smem:$0x3F98];
	s0 =	simm.s32 @p0 $0x1  }
0x13: {  	[smem:$0x3FB3] =	sst s0;
	s0 =	simm.s32 @!p1 $0x0  }
0x14: {  	s2 =	sld [smem:$0x3F97];
	s0 =	simm.s32 @p1 $0x1  }
0x15: {  	[smem:$0x3FB4] =	sst s0;
	s0 =	simm.s32 @!p2 $0x0  }
0x16: {  	s3 =	sld [smem:$0x3FDB];
	s0 =	simm.s32 @p2 $0x1  }
0x17: {  	s4 =	simm.s32 $0x1BF5;
	[smem:$0x3FB6] =	sst s0  }
0x18: {  	s0 =	sld [smem:$0x3F99];
	_ =	swait.ge [sflag:s4], $0x0  }
0x19: {  	s7 =	sld [smem:$0x3F9A]  }
0x1a: {  	s8 =	sadd.s32 $0xFFFFE003, lr  }
0x1b: {  	s9 =	sadd.s32 $0xFFFFFEF7, lr;
	s5 =	simm.s32 $0xFFFFFFFF;
	p2 =	slt.u32 s8, $0xFFFFF086  }
0x1c: {  	p1 =	slt.u32 s9, $0xF7A;
	s5 =	simm.s32 @!p2 $0x0  }
0x1d: {  	s5 =	simm.s32 @p1 $0x1;
	p0 =	seq.s32 s7, s2  }
0x1e: {  	s7 =	smul.u32 @!p0 $0xF7A, s2;
	p2 =	seq.s32 @!p0 s5, $0x0  }
0x1f: {  	s9 =	smul.u32 $0xF7A, s1;
	s8 =	simm.s32 @!p0 $0x1BF5;
	p2 =	por !p2, p0  }
0x20: {  	[sflag:s8] =	ssyncset.s32 @!p0 $0xFFFFF086;
	s6 =	sadd.s32 @!p0 s3, s7;
	s7 =	simm.s32 @!p0 $0x108  }
0x21: {  	s3 =	sadd.s32 s3, s9;
	s6 =	sadd.s32 @!p0 $0x88, s6;
	s7 =	simm.s32 @p2 $0x1082  }
0x22: {  	[simem:s7], [sflag:s8] =	dma.local @!p0 [hbm:s6], $0xF7A  }
0x23: {  	s9 =	sor.u32 $0xD0000000, s2;
	s6 =	simm.s32 $0x108;
	_ =	swait.ge @!p0 [sflag:s8], $0x0  }
0x24: {  	s3 =	sadd.s32 $0x88, s3;
	s6 =	simm.s32 @!p1 $0x1082;
	[sflag:s4] =	ssyncset.s32 $0xFFFFF086  }
0x25: {  	[simem:s6], [sflag:s4] =	dma.local [hbm:s3], $0xF7A  }
0x26: {  	[smem:$0x3F9A] =	sst s1;
	(tag) =	ssettag s2;
	_ =	strace s9  }
0x27: {  	s1 =	sld [smem:$0x3FAA]  }
0x28: {  	s2 =	sld [smem:$0x3FAB]  }
0x29: {  	s4 =	sld [smem:$0x3FAD]  }
0x2a: {  	p0 =	seq.s32 s5, $0x0;
	s5 =	sld [smem:$0x3FAE]  }
0x2b: {  	s6 =	sld [smem:$0x3FAF]  }
0x2c: {  	s7 =	sld [smem:$0x3FB0]  }
0x2d: {  	s3 =	simm.s32 $0x108;
	s8 =	sld [smem:$0x3FB1]  }
0x2e: {  	s3 =	simm.s32 @!p0 $0x1082;
	s9 =	sld [smem:$0x3FB2]  }
0x2f: {  	lr =	sadd.s32 s0, s3;
	s0 =	sld [smem:$0x3FA9]  }
0x30: {  	s3 =	sld [smem:$0x3FAC]  }
0x31: {  	[smem:$0x3FB5] =	sst s10  }
0x32: {  	s10 =	sld [smem:$0x3FB3];
	_ =	sdelay $0x3  }
0x33: {  	p0 =	seq.s32 s10, $0x1;
	s10 =	sld [smem:$0x3FB5];
	_ =	sdelay $0x3  }
0x34: {  	[smem:$0x3FB5] =	sst s10  }
0x35: {  	s10 =	sld [smem:$0x3FB4];
	_ =	sdelay $0x3  }
0x36: {  	p1 =	seq.s32 s10, $0x1;
	s10 =	sld [smem:$0x3FB5];
	_ =	sdelay $0x3  }
0x37: {  	[smem:$0x3FB5] =	sst s10  }
0x38: {  	s10 =	sld [smem:$0x3FB6]  }
0x39: {  	_ = 	snop;
	(pc) =	sbr.ind lr, $3  }
0x3a: {  	_ = 	snop  }
0x3b: {  	_ = 	snop  }
0x3c: {  	p2 =	seq.s32 s10, $0x1;
	s10 =	sld [smem:$0x3FB5]  }
0x3d: {  	_ =	shalt  }
0x3e: {  	_ =	shalt  }
0x3f: {  	_ =	shalt  }
0x40: {  	_ =	shalt  }
0x41: {  	_ =	shalt  }
0x42: {  	_ =	shalt  }
0x43: {  	_ =	shalt  }
0x44: {  	_ =	shalt  }
0x45: {  	_ =	shalt  }
0x46: {  	_ =	shalt  }
0x47: {  	_ =	shalt  }
0x48: {  	_ =	shalt  }
0x49: {  	_ =	shalt  }
0x4a: {  	_ =	shalt  }
0x4b: {  	_ =	shalt  }
0x4c: {  	_ =	shalt  }
0x4d: {  	_ =	shalt  }
0x4e: {  	_ =	shalt  }
0x4f: {  	_ =	shalt  }
0x50: {  	_ =	shalt  }
0x51: {  	_ =	shalt  }
0x52: {  	_ =	shalt  }
0x53: {  	_ =	shalt  }
0x54: {  	_ =	shalt  }
0x55: {  	_ =	shalt  }
0x56: {  	_ =	shalt  }
0x57: {  	_ =	shalt  }
0x58: {  	_ =	shalt  }
0x59: {  	_ =	shalt  }
0x5a: {  	_ =	shalt  }
0x5b: {  	_ =	shalt  }
0x5c: {  	_ =	shalt  }
0x5d: {  	_ =	shalt  }
0x5e: {  	_ =	shalt  }
0x5f: {  	_ =	shalt  }
0x60: {  	_ =	shalt  }
0x61: {  	_ =	shalt  }
0x62: {  	_ =	shalt  }
0x63: {  	_ =	shalt  }
0x64: {  	_ =	shalt  }
0x65: {  	_ =	shalt  }
0x66: {  	_ =	shalt  }
0x67: {  	_ =	shalt  }
0x68: {  	_ =	shalt  }
0x69: {  	_ =	shalt  }
0x6a: {  	_ =	shalt  }
0x6b: {  	_ =	shalt  }
0x6c: {  	_ =	shalt  }
0x6d: {  	_ =	shalt  }
0x6e: {  	_ =	shalt  }
0x6f: {  	_ =	shalt  }
0x70: {  	_ =	shalt  }
0x71: {  	_ =	shalt  }
0x72: {  	_ =	shalt  }
0x73: {  	_ =	shalt  }
0x74: {  	_ =	shalt  }
0x75: {  	_ =	shalt  }
0x76: {  	_ =	shalt  }
0x77: {  	_ =	shalt  }
0x78: {  	_ =	shalt  }
0x79: {  	_ =	shalt  }
0x7a: {  	_ =	shalt  }
0x7b: {  	_ =	shalt  }
0x7c: {  	_ =	shalt  }
0x7d: {  	_ =	shalt  }
0x7e: {  	_ =	shalt  }
0x7f: {  	_ =	shalt  }
0x80: {  	_ =	shalt  }
0x81: {  	_ =	shalt  }
0x82: {  	_ =	shalt  }
0x83: {  	_ =	shalt  }
0x84: {  	_ =	shalt  }
0x85: {  	_ =	shalt  }
0x86: {  	_ =	shalt  }
0x87: {  	_ =	shalt  }
.Lfunc_end0:
.L_simem_size_0:
called_computation_lowered:
.L_overlay_start_0:
0x88: {  	s2 =	sld [smem:$0x3FD9]  }
0x89: {  	s3 =	sld [smem:$0x3FFE];
	_ =	sdelay $0x1  }
0x8a: {  	s1 =	srdreg.scid  }
0x8b: {  	s0 =	sand.u32 $0x1, s1  }
0x8c: {  	s17 =	sshll.u32 s0, $0xA;
	s2 =	sadd.s32 s3, s2  }
0x8d: {  	s2 =	sadd.s32 s2, s17  }
0x8e: {  	[smem:$0x3FC1] =	sst s2  }
0x8f: {  	_ = 	snop  }
0x90: {  	s2 =	sld [smem:$0x3FC9]  }
0x91: {  	s18 =	sld [smem:$0x3FC7];
	(tm) =	ssettm $0x1  }
0x92: {  	s4 =	sld [smem:$0x3FFB];
	_ =	sdelay $0x3  }
0x93: {  	_ =	strace s4  }
0x94: {  	s4 =	sld [smem:$0x3FFC];
	_ =	sdelay $0x3  }
0x95: {  	_ =	strace s4  }
0x96: {  	s4 =	sld [smem:$0x3FFD];
	_ =	sdelay $0x3  }
0x97: {  	_ =	strace s4  }
0x98: {  	_ =	strace $0x8FFFFFFF  }
0x99: {  	s19 =	sld [smem:$0x3FDB];
	_ =	sdelay $0x1  }
0x9a: {  	s5 =	simm.s32 $_scs_section_size  }
0x9b: {  	s6 =	simm.s32 $_size__tile_overlayer_lowered;
	s7 =	simm.s32 $_tile_overlayer_lowered  }
0x9c: {  	s22 =	simm.s32 $0x1BFF;
	s21 =	sshll.u32 s7, $0x1;
	s4 =	sadd.s32 s5, s19  }
0x9d: {  	s8 =	simm.s32 $0x0;
	s20 =	sshll.u32 s6, $0x1;
	s6 =	sadd.s32 s21, s4  }
0x9e: {  	[timem:s8], [sflag:s22] =	dma.local [hbm:s6], s20  }
0x9f: {  	_ =	swait.ge [sflag:s22], s20  }
0xa0: {  	s5 =	ssub.s32 $0x0, s20;
	[sflag:s22] =	ssyncset.done $0x0  }
0xa1: {  	[sflag:s22] =	ssyncadd.s32 s5;
	_ =	sdelay $0x1  }
0xa2: {  	s23 =	simm.s32 $0x1B8B  }
0xa3: {  	_ =	swait.ge [sflag:s23], $0x1  }
0xa4: {  	[sflag:s23] =	ssyncset.done $0x0  }
0xa5: {  	s25 =	simm.s32 $0x1B8E;
	s24 =	sld [smem:$0x3FFE];
	[sflag:s23] =	ssyncadd.s32 $0xFFFFFFFF  }
0xa6: {  	s26 =	simm.s32 $execute0_lowered;
	[smem:$0x3FD2] =	sst s25  }
0xa7: {  	s6 =	sshll.u32 s26, $0x1;
	_ =	strace $0x80000046;
	[dreg:$0x1] =	wrdreg $0xFFFFFFFF  }
0xa8: {  	s28 =	simm.s32 $_size_execute0_lowered;
	s4 =	sadd.s32 s4, s6;
	[dreg:$0x0] =	wrdreg $0x0  }
0xa9: {  	s6 =	sshll.u32 s28, $0x1;
	[dreg:$0x2] =	wrdreg s4  }
0xaa: {  	[dreg:$0x3] =	wrdreg s6  }
0xab: {  	[dreg:$0x4] =	wrdreg $0xC0  }
0xac: {  	_ =	task [dreg:s8], $0x5FFFF  }
0xad: {  	[dreg:$0x1] =	wrdreg $0xFFFFFFFF  }
0xae: {  	[dreg:$0x0] =	wrdreg $0x60  }
0xaf: {  	[dreg:$0x2] =	wrdreg s2  }
0xb0: {  	[dreg:$0x3] =	wrdreg s18  }
0xb1: {  	[dreg:$0x4] =	wrdreg s24  }
0xb2: {  	[dreg:$0x5] =	wrdreg $0x9  }
0xb3: {  	_ =	task.clear_ibuf [dreg:s8], $0x6FFFF;
	_ =	strace $0x90000046  }
0xb4: {  	s29 =	simm.s32 $0x9;
	_ =	strace $0x80000048  }
0xb5: {  	_ =	swait.ge [sflag:s29], $0x1  }
0xb6: {  	[sflag:s29] =	ssyncadd.s32 $0xFFFFFFFF  }
0xb7: {  	_ =	strace $0x90000048  }
0xb8: {  	_ =	sfence  }
0xb9: {  	s30 =	sld [smem:$0x0];
	_ =	sdelay $0x2  }
0xba: {  	s31 =	sshll.u32 s1, $0xD;
	s1 =	sshrl.u32 s1, $0x2  }
0xbb: {  	s3 =	sand.u32 $0x4000, s31;
	s1 =	sadd.s32 s1, s30  }
0xbc: {  	s0 =	sor.u32 s3, s0;
	s1 =	sshll.u32 s1, $0x11  }
0xbd: {  	s0 =	sor.u32 s1, s0  }
0xbe: {  	s0 =	sadd.s32 $0x8F2B, s0  }
0xbf: {  	[sflag:s0] =	ssyncadd.remote.s32 $0x1  }
0xc0: {  	_ =	sfence.sel $0xFFFF  }
0xc1: {  	[dreg:$0x0] =	wrdreg $0xFFFFFFFF;
	(pc) =	sbr.abs _section_cstart, $3  }
0xc2: {  	[dreg:$0x1] =	wrdreg $0xFFFFFFFF  }
0xc3: {  	_ =	task.clear_ibuf [dreg:s8], $0x2FFFF;
	_ =	strace $0x9FFFFFFF  }
0xc4: {  	(tm) =	ssettm $0x7FFFFFFF  }
0xc5: {  	_ =	shalt  }
tec
execute0_lowered:
.L_overlay_start_1:
0x0: {  	(tag) =	ssettag $0x1  }
0x1: {  	s1 =	srdreg.scid;
	s0 =	stileid.u32  }
0x2: {  	s4 =	rddreg [dreg:$0x0];
	s24 =	sand.u32 $0x1, s1;
	s31 =	sshll.u32 s0, $0x1  }
0x3: {  	s2 =	rddreg [dreg:$0x1];
	s19 =	sor.u32 s24, s31  }
0x4: {  	s16 =	rddreg [dreg:$0x2];
	s5 =	smul.u32 $0x60, s19  }
0x5: {  	s3 =	simm.s32 $0x0;
	s6 =	simm.s32 $0x100;
	s1 =	rddreg [dreg:$0x3]  }
0x6: {  	s7 =	simm.s32 $0x6;
	[smem:$0x7FF] =	sst s3;
	s4 =	sadd.s32 s5, s4  }
0x7: {  	_ =	strace $0x80000047;
	s5 =	simm.s32 $0x80;
	s4 =	sadd.s32 $0x10, s4  }
0x8: {  	[tilespmem:s3], [sflag:$0x6] =	stream.strided.gather [hbm4b:s4+s5], $0x180, s6, s5, $0x38;
	[tilespmem:$0xC180] =	vst v63  }
0x9: {  	_ =	swait.ge [sflag:s7], $0x180  }
0xa: {  	[sflag:s7] =	ssyncset.done $0x0  }
0xb: {  	s8 =	simm.s32 $0x60;
	s9 =	simm.s32 $0x180;
	[sflag:s7] =	ssyncadd.s32 $0xFFFFFE80  }
0xc: {  	[tilespmem:s9], [sflag:$0x1] =	stream.indirect.gather [hbm4b:s2+s8], $0x80, s3, s8, $0xb8;
	[tilespmem:$0xC180] =	vst v63  }
0xd: {  	s10 =	simm.s32 $0x3180  }
0xe: {  	[tilespmem:s10], [sflag:$0x2] =	stream.indirect.gather [hbm4b:s2+s8], $0x80, s8, s8, $0xb8;
	[tilespmem:$0xC180] =	vst v63  }
0xf: {  	s11 =	simm.s32 $0xC0;
	s12 =	simm.s32 $0x6180  }
0x10: {  	[tilespmem:s12], [sflag:$0x3] =	stream.indirect.gather [hbm4b:s2+s8], $0x80, s11, s8, $0xb8;
	[tilespmem:$0xC180] =	vst v63  }
0x11: {  	s13 =	simm.s32 $0x120;
	s14 =	simm.s32 $0x9180;
	s15 =	simm.s32 $0x1  }
0x12: {  	[tilespmem:s14], [sflag:$0x4] =	stream.indirect.gather [hbm4b:s2+s8], $0x80, s13, s8, $0xb8;
	[tilespmem:$0xC180] =	vst v63  }
0x13: {  	s17 =	smul.u32 $0x1800, s19;
	_ =	swait.ge [sflag:s15], $0x3000  }
0x14: {  	s20 =	sadd.s32 $0x1200, s16;
	[sflag:s15] =	ssyncset.done $0x0  }
0x15: {  	s16 =	sadd.s32 s20, s17;
	s17 =	simm.s32 $0x2;
	[sflag:s15] =	ssyncadd.s32 $0xFFFFD000  }
0x16: {  	[hbm4b:s16+s3] =	stream.linear.scatter [tilespmem:s9], [sflag:$0x5], $0x3000, $0x38;
	[tilespmem:$0xC180] =	vst v63  }
0x17: {  	_ =	swait.ge [sflag:s17], $0x3000  }
0x18: {  	s21 =	smul.u32 $0xC000, s19;
	[sflag:s17] =	ssyncset.done $0x0  }
0x19: {  	s19 =	simm.s32 $0x3;
	s18 =	sadd.s32 $0x600, s16;
	[sflag:s17] =	ssyncadd.s32 $0xFFFFD000  }
0x1a: {  	[hbm4b:s18+s3] =	stream.linear.scatter [tilespmem:s10], [sflag:$0x5], $0x3000, $0x38;
	[tilespmem:$0xC180] =	vst v63  }
0x1b: {  	s21 =	sshrl.u32 s21, $0x3;
	_ =	swait.ge [sflag:s19], $0x3000  }
0x1c: {  	s22 =	sadd.s32 s20, s21;
	[sflag:s19] =	ssyncset.done $0x0  }
0x1d: {  	s21 =	simm.s32 $0x4;
	s20 =	sadd.s32 $0xC00, s22;
	[sflag:s19] =	ssyncadd.s32 $0xFFFFD000  }
0x1e: {  	[hbm4b:s20+s3] =	stream.linear.scatter [tilespmem:s12], [sflag:$0x5], $0x3000, $0x38;
	[tilespmem:$0xC180] =	vst v63  }
0x1f: {  	_ =	swait.ge [sflag:s21], $0x3000  }
0x20: {  	[sflag:s21] =	ssyncset.done $0x0  }
0x21: {  	s23 =	sadd.s32 $0x1200, s22;
	s22 =	simm.s32 $0x5;
	[sflag:s21] =	ssyncadd.s32 $0xFFFFD000  }
0x22: {  	[hbm4b:s23+s3] =	stream.linear.scatter [tilespmem:s14], [sflag:$0x5], $0x3000, $0x38;
	[tilespmem:$0xC180] =	vst v63  }
0x23: {  	_ =	swait.ge [sflag:s22], $0x3000  }
0x24: {  	s24 =	ssub.s32 $0x2, s24;
	[sflag:s22] =	ssyncset.done $0x0  }
0x25: {  	s25 =	sshrl.u32 s24, $0x1;
	[sflag:s22] =	ssyncadd.s32 $0xFFFFD000  }
0x26: {  	s24 =	ssub.s32 s24, s25;
	_ =	swait.ge [sflag:s22], $0x3000  }
0x27: {  	s24 =	smax.u32 s24, $0x1;
	[sflag:s22] =	ssyncset.done $0x0  }
0x28: {  	p0 =	sne.s32 s24, $0x1;
	[sflag:s22] =	ssyncadd.s32 $0xFFFFD000  }
.Ltmp0:
0x29: {  	_ =	swait.ge [sflag:s22], $0x3000;
	(pc) =	sbr.rel @!p0 .LBB2_2-.Ltmp0, $4  }
0x2a: {  	[sflag:s22] =	ssyncset.done $0x0  }
0x2b: {  	[sflag:s22] =	ssyncadd.s32 $0xFFFFD000  }
0x2c: {  	_ =	swait.ge [sflag:s22], $0x3000  }
0x2d: {  	s24 =	sadd.s32 $0xFFFFFFFF, s24;
	[sflag:s22] =	ssyncset.done $0x0  }
.LBB2_1:
0x2e: {  	p0 =	sne.s32 s24, $0x1;
	s24 =	sadd.s32 $0xFFFFFFFF, s24;
	[sflag:s22] =	ssyncadd.s32 $0xFFFFD000  }
0x2f: {  	[tilespmem:s3], [sflag:$0x6] =	stream.strided.gather [hbm4b:s4+s5], $0x180, s6, s5, $0x38;
	[tilespmem:$0xC180] =	vst v63  }
0x30: {  	_ =	swait.ge [sflag:s7], $0x180  }
0x31: {  	[sflag:s7] =	ssyncset.done $0x0  }
0x32: {  	[sflag:s7] =	ssyncadd.s32 $0xFFFFFE80  }
0x33: {  	[tilespmem:s9], [sflag:$0x1] =	stream.indirect.gather [hbm4b:s2+s8], $0x80, s3, s8, $0xb8;
	[tilespmem:$0xC180] =	vst v63  }
0x34: {  	_ = 	snop  }
0x35: {  	[tilespmem:s10], [sflag:$0x2] =	stream.indirect.gather [hbm4b:s2+s8], $0x80, s8, s8, $0xb8;
	[tilespmem:$0xC180] =	vst v63  }
0x36: {  	_ = 	snop  }
0x37: {  	[tilespmem:s12], [sflag:$0x3] =	stream.indirect.gather [hbm4b:s2+s8], $0x80, s11, s8, $0xb8;
	[tilespmem:$0xC180] =	vst v63  }
0x38: {  	_ = 	snop  }
0x39: {  	[tilespmem:s14], [sflag:$0x4] =	stream.indirect.gather [hbm4b:s2+s8], $0x80, s13, s8, $0xb8;
	[tilespmem:$0xC180] =	vst v63  }
0x3a: {  	_ =	swait.ge [sflag:s15], $0x3000  }
0x3b: {  	[sflag:s15] =	ssyncset.done $0x0  }
0x3c: {  	[sflag:s15] =	ssyncadd.s32 $0xFFFFD000  }
0x3d: {  	[hbm4b:s16+s3] =	stream.linear.scatter [tilespmem:s9], [sflag:$0x5], $0x3000, $0x38;
	[tilespmem:$0xC180] =	vst v63  }
0x3e: {  	_ =	swait.ge [sflag:s17], $0x3000  }
0x3f: {  	[sflag:s17] =	ssyncset.done $0x0  }
0x40: {  	[sflag:s17] =	ssyncadd.s32 $0xFFFFD000  }
0x41: {  	[hbm4b:s18+s3] =	stream.linear.scatter [tilespmem:s10], [sflag:$0x5], $0x3000, $0x38;
	[tilespmem:$0xC180] =	vst v63  }
0x42: {  	_ =	swait.ge [sflag:s19], $0x3000  }
0x43: {  	[sflag:s19] =	ssyncset.done $0x0  }
0x44: {  	[sflag:s19] =	ssyncadd.s32 $0xFFFFD000  }
0x45: {  	[hbm4b:s20+s3] =	stream.linear.scatter [tilespmem:s12], [sflag:$0x5], $0x3000, $0x38;
	[tilespmem:$0xC180] =	vst v63  }
0x46: {  	_ =	swait.ge [sflag:s21], $0x3000  }
0x47: {  	[sflag:s21] =	ssyncset.done $0x0  }
0x48: {  	[sflag:s21] =	ssyncadd.s32 $0xFFFFD000  }
0x49: {  	[hbm4b:s23+s3] =	stream.linear.scatter [tilespmem:s14], [sflag:$0x5], $0x3000, $0x38;
	[tilespmem:$0xC180] =	vst v63  }
0x4a: {  	_ =	swait.ge [sflag:s22], $0x3000  }
0x4b: {  	[sflag:s22] =	ssyncset.done $0x0  }
0x4c: {  	[sflag:s22] =	ssyncadd.s32 $0xFFFFD000  }
0x4d: {  	_ =	swait.ge [sflag:s22], $0x3000  }
0x4e: {  	[sflag:s22] =	ssyncset.done $0x0  }
0x4f: {  	[sflag:s22] =	ssyncadd.s32 $0xFFFFD000  }
.Ltmp1:
0x50: {  	_ =	swait.ge [sflag:s22], $0x3000;
	(pc) =	sbr.rel @p0 .LBB2_1-.Ltmp1, $4  }
0x51: {  	[sflag:s22] =	ssyncset.done $0x0  }
0x52: {  	[sflag:s22] =	ssyncadd.s32 $0xFFFFD000  }
0x53: {  	_ =	swait.ge [sflag:s22], $0x3000  }
0x54: {  	[sflag:s22] =	ssyncset.done $0x0  }
.LBB2_2:
0x55: {  	[sflag:s22] =	ssyncadd.s32 $0xFFFFD000  }
0x56: {  	_ =	sfence.sel $0x180000  }
0x57: {  	[bflag:$0x0] =	sbarrier.arrive $0xFFFF  }
0x58: {  	p0 =	sne.s32 s0, $0x0;
	_ =	strace $0x90000047  }
0x59: {  	s0 =	sadd.s32 @!p0 $0x100000, s1;
	[bflag:$0x2] =	sbarrier.arrive $0xFFFF  }
0x5a: {  	[sflag:s0] =	ssyncadd.tile.s32 @!p0 $0x1;
	_ =	shalt  }
.Lfunc_end2:
_tile_overlayer_lowered:
.L_overlay_start_2:
0x5b: {  	(tag) =	ssettag $0x2  }
0x5c: {  	s0 =	rddreg [dreg:$0x0];
	s2 =	stileid.u32  }
0x5d: {  	s1 =	rddreg [dreg:$0x1];
	p0 =	sne.s32 s2, $0x0  }
0x5e: {  	s3 =	rddreg [dreg:$0x2];
	[bflag:$0x3] =	sbarrier.arrive $0xFFFF;
	s2 =	simm.s32 @!p0 $0x1C06  }
0x5f: {  	[timem:s3], [sflag:s2] =	dma.local @!p0 [hbm:s0], s1  }
0x60: {  	s0 =	simm.s32 @!p0 $0x6  }
0x61: {  	_ =	swait.ge @!p0 [sflag:s0], s1  }
0x62: {  	s1 =	ssub.s32 @!p0 $0x0, s1;
	[sflag:s0] =	ssyncset.done @!p0 $0x0  }
0x63: {  	[sflag:s0] =	ssyncadd.s32 @!p0 s1  }
0x64: {  	[bflag:$0x3] =	sbarrier.arrive $0xFFFF  }
0x65: {  	_ =	shalt  }

</sc_bundles>
